<compile_context>
chip_gen: v7x
topology: tpu7x:2x2x1
jax: 0.10.2.dev20260603
libtpu: 0.0.44.dev20260713+nightly
codegen_flags: <defaults>
</compile_context>

<pallas_src>
import functools

import jax
import jax.numpy as jnp
from jax import lax
from jax.experimental import pallas as pl
from jax.experimental.pallas import tpu as pltpu
from jax.experimental.pallas import tpu_sc as plsc

NUM_CORES = 2
NUM_SUBCORES = 16
NUM_WORKERS = NUM_CORES * NUM_SUBCORES
CHUNK = 128


@functools.lru_cache(maxsize=None)
def _build(n, b, d):
    assert b % (8 * NUM_WORKERS) == 0
    b_per_w = b // NUM_WORKERS
    assert b_per_w % CHUNK == 0
    n_chunks = b_per_w // CHUNK
    mesh = plsc.VectorSubcoreMesh(
        core_axis_name="c", subcore_axis_name="s",
        num_cores=NUM_CORES, num_subcores=NUM_SUBCORES)

    @functools.partial(
        pl.kernel,
        out_type=jax.ShapeDtypeStruct((b, d), jnp.float32),
        mesh=mesh,
        scratch_types=[
            pltpu.VMEM((b,), jnp.int32),
            pltpu.VMEM((b,), jnp.int32),
            pltpu.VMEM((b_per_w,), jnp.int32),
            pltpu.VMEM((b_per_w,), jnp.int32),
            pltpu.VMEM((CHUNK, d), jnp.float32),
            pltpu.VMEM((CHUNK, d), jnp.float32),
            pltpu.VMEM_SHARED((n,), jnp.int32),
            pltpu.SemaphoreType.DMA,
            pltpu.SemaphoreType.DMA,
            pltpu.SemaphoreType.DMA,
        ],
    )
    def bank(ids_hbm, iota_hbm, upd_hbm, out_hbm,
             ids_all_v, iota_v, ids_v, w_v, rows_a, rows_b, table_sh,
             sem_a, sem_b, sem_c):
        c = lax.axis_index("c")
        s = lax.axis_index("s")
        wid = c * NUM_SUBCORES + s
        base = wid * b_per_w

        own = pltpu.async_copy(
            ids_hbm.at[pl.ds(base, b_per_w)], ids_v, sem_c)

        @pl.when(s == 0)
        def _table_build():
            st1 = pltpu.async_copy(ids_hbm, ids_all_v, sem_a)
            st2 = pltpu.async_copy(iota_hbm, iota_v, sem_b)
            st1.wait()
            st2.wait()
            pltpu.sync_copy(iota_v, table_sh.at[ids_all_v])

        own.wait()
        plsc.subcore_barrier()

        pltpu.sync_copy(table_sh.at[ids_v], w_v)

        bufs = (rows_a, rows_b)
        sems = (sem_a, sem_b)
        handles = [None] * n_chunks
        handles[0] = pltpu.async_copy(
            upd_hbm.at[w_v.at[pl.ds(0, CHUNK)]], bufs[0], sems[0])
        for k in range(n_chunks):
            if k + 1 < n_chunks:
                handles[k + 1] = pltpu.async_copy(
                    upd_hbm.at[w_v.at[pl.ds((k + 1) * CHUNK, CHUNK)]],
                    bufs[(k + 1) % 2], sems[(k + 1) % 2])
            handles[k].wait()
            pltpu.sync_copy(
                bufs[k % 2], out_hbm.at[pl.ds(base + k * CHUNK, CHUNK)])

    return bank


def kernel(node_memories, node_ids, updated_node_memories):
    n = node_memories.shape[0]
    b, d = updated_node_memories.shape
    ids = node_ids.astype(jnp.int32)
    iota = jnp.arange(b, dtype=jnp.int32)
    return _build(n, b, d)(ids, iota, updated_node_memories)

# --- scband reference (transcript-rebuilt; emitter-appended) ---
"""Pipeline reference for scband-memory-bank-50800873177372 (READ-ONLY COPY).

The authoritative reference and input builder live on the scoring server;
editing this copy changes nothing except your own understanding.
"""

import jax, jax.numpy as jnp
import numpy as np

NUM_NODES = 1000000
MEMORY_DIM = 128
BATCH = 16384


def setup_inputs(seed: int = 0) -> dict:
    key = jax.random.key(seed)
    k1, k2 = jax.random.split(key)
    # node_memories is the learned/stateful parameter table (initialized to zeros
    # as in __init_memory_bank__)
    node_memories = jnp.zeros((NUM_NODES, MEMORY_DIM), dtype=jnp.float32)
    node_ids = jax.random.randint(k1, (BATCH,), 0, NUM_NODES, dtype=jnp.int64)
    updated_node_memories = jax.random.normal(k2, (BATCH, MEMORY_DIM), dtype=jnp.float32)
    return {
        "node_memories": node_memories,
        "node_ids": node_ids,
        "updated_node_memories": updated_node_memories,
    }


def reference(node_memories, node_ids, updated_node_memories):
    # set_memories: scatter-overwrite rows of the memory bank
    # (self.node_memories[torch.from_numpy(node_ids)] = updated_node_memories)
    new_mem = node_memories.at[node_ids].set(updated_node_memories)
    # get_memories: gather rows back for the same node ids
    # (return self.node_memories[torch.from_numpy(node_ids)])
    gathered = jnp.take(new_mem, node_ids, axis=0)
    return gathered

if __name__ == "__main__":
    import jax
    _d = setup_inputs()
    print(jax.jit(kernel)(*tuple(_d.values())))

</pallas_src>

<mosaic_0001>
#map = affine_map<(d0, d1) -> (0)>
#map1 = affine_map<(d0, d1) -> (0, 0)>
module attributes {stable_mosaic.version = 14 : i64} {
  func.func @bank(%arg0: i32, %arg1: i32, %arg2: memref<16384xi32, #tpu.memory_space<hbm>>, %arg3: memref<16384xi32, #tpu.memory_space<hbm>>, %arg4: memref<16384x128xf32, #tpu.memory_space<hbm>>, %arg5: memref<16384x128xf32, #tpu.memory_space<hbm>>, %arg6: memref<16384xi32, #tpu.memory_space<vmem>>, %arg7: memref<16384xi32, #tpu.memory_space<vmem>>, %arg8: memref<512xi32, #tpu.memory_space<vmem>>, %arg9: memref<512xi32, #tpu.memory_space<vmem>>, %arg10: memref<128x128xf32, #tpu.memory_space<vmem>>, %arg11: memref<128x128xf32, #tpu.memory_space<vmem>>, %arg12: memref<1000000xi32, #tpu.memory_space<vmem_shared>>, %arg13: memref<!tpu.dma_semaphore, #tpu.memory_space<semaphore_mem>>, %arg14: memref<!tpu.dma_semaphore, #tpu.memory_space<semaphore_mem>>, %arg15: memref<!tpu.dma_semaphore, #tpu.memory_space<semaphore_mem>>) attributes {dimension_semantics = [#tpu.dimension_semantics<core_parallel>, #tpu.dimension_semantics<subcore_parallel>], iteration_bounds = array<i64: 2, 16>, scalar_prefetch = 0 : i64, scratch_operands = 10 : i64, tpu.core_type = #tpu.core_type<sc_vector_subcore>, window_params = [{transform_indices = #map}, {transform_indices = #map}, {transform_indices = #map1}, {transform_indices = #map1}]} {
    %mul3A = arith.constant 16 : i32
    %mul3A_0 = arith.muli %arg0, %mul3A : i32
    %add3A = arith.addi %mul3A_0, %arg1 : i32
    %mul3A_1 = arith.constant 512 : i32
    %mul3A_2 = arith.muli %add3A, %mul3A_1 : i32
    %dma_start3A = tpu.memref_slice %arg2[%mul3A_2] : memref<16384xi32, #tpu.memory_space<hbm>> -> memref<512xi32, #tpu.memory_space<hbm>>
    %dma_start3A_3 = tpu.memref_slice %arg2[%mul3A_2] : memref<16384xi32, #tpu.memory_space<hbm>> -> memref<512xi32, #tpu.memory_space<hbm>>
    tpu.enqueue_dma source(%dma_start3A_3 : memref<512xi32, #tpu.memory_space<hbm>>) target(%arg8 : memref<512xi32, #tpu.memory_space<vmem>>) target_semaphore(%arg15 : memref<!tpu.dma_semaphore, #tpu.memory_space<semaphore_mem>>)
    %eq3A = arith.constant 0 : i32
    %eq3A_4 = arith.cmpi eq, %arg1, %eq3A : i32
    %convert_element_type3A = arith.extui %eq3A_4 : i1 to i32
    %cond3A = arith.constant 0 : i32
    %cond3A_5 = arith.cmpi ne, %convert_element_type3A, %cond3A : i32
    scf.if %cond3A_5 {
      tpu.enqueue_dma source(%arg2 : memref<16384xi32, #tpu.memory_space<hbm>>) target(%arg6 : memref<16384xi32, #tpu.memory_space<vmem>>) target_semaphore(%arg13 : memref<!tpu.dma_semaphore, #tpu.memory_space<semaphore_mem>>)
      tpu.enqueue_dma source(%arg3 : memref<16384xi32, #tpu.memory_space<hbm>>) target(%arg7 : memref<16384xi32, #tpu.memory_space<vmem>>) target_semaphore(%arg14 : memref<!tpu.dma_semaphore, #tpu.memory_space<semaphore_mem>>)
      tpu.wait_dma2 semaphore(%arg13 : memref<!tpu.dma_semaphore, #tpu.memory_space<semaphore_mem>>) src(%arg2 : memref<16384xi32, #tpu.memory_space<hbm>>) dst(%arg6 : memref<16384xi32, #tpu.memory_space<vmem>>)
      tpu.wait_dma2 semaphore(%arg14 : memref<!tpu.dma_semaphore, #tpu.memory_space<semaphore_mem>>) src(%arg3 : memref<16384xi32, #tpu.memory_space<hbm>>) dst(%arg7 : memref<16384xi32, #tpu.memory_space<vmem>>)
      "tpu.region"() ({
        %run_scoped3A = tpu.sem_alloc : memref<!tpu.dma_semaphore, #tpu.memory_space<semaphore_mem>>
        %dma_start3A_55 = arith.constant 0 : i32
        %dma_start3A_56 = tpu.memref_slice %arg12[%dma_start3A_55] : memref<1000000xi32, #tpu.memory_space<vmem_shared>> -> memref<1000000xi32, #tpu.memory_space<vmem_shared>>
        tpu.enqueue_indirect_dma source(%arg7 : memref<16384xi32, #tpu.memory_space<vmem>>) target(%dma_start3A_56 : memref<1000000xi32, #tpu.memory_space<vmem_shared>>) offsets(%arg6 : memref<16384xi32, #tpu.memory_space<vmem>>) semaphore(%run_scoped3A : memref<!tpu.dma_semaphore, #tpu.memory_space<semaphore_mem>>)
        %dma_wait3A_57 = arith.constant 0 : i32
        %dma_wait3A_58 = tpu.memref_slice %arg12[%dma_wait3A_57] : memref<1000000xi32, #tpu.memory_space<vmem_shared>> -> memref<1000000xi32, #tpu.memory_space<vmem_shared>>
        tpu.wait_indirect_dma semaphore(%run_scoped3A : memref<!tpu.dma_semaphore, #tpu.memory_space<semaphore_mem>>) src(%arg7 : memref<16384xi32, #tpu.memory_space<vmem>>) dst(%dma_wait3A_58 : memref<1000000xi32, #tpu.memory_space<vmem_shared>>)
        tpu.yield
      }) : () -> ()
    } else {
    }
    %dma_wait3A = tpu.memref_slice %arg2[%mul3A_2] : memref<16384xi32, #tpu.memory_space<hbm>> -> memref<512xi32, #tpu.memory_space<hbm>>
    %dma_wait3A_6 = tpu.memref_slice %arg2[%mul3A_2] : memref<16384xi32, #tpu.memory_space<hbm>> -> memref<512xi32, #tpu.memory_space<hbm>>
    tpu.wait_dma2 semaphore(%arg15 : memref<!tpu.dma_semaphore, #tpu.memory_space<semaphore_mem>>) src(%dma_wait3A_6 : memref<512xi32, #tpu.memory_space<hbm>>) dst(%arg8 : memref<512xi32, #tpu.memory_space<vmem>>)
    %barrier3A = arith.constant 0 : index
    tpu.barrier barrier_id(%barrier3A)
    "tpu.region"() ({
      %run_scoped3A = tpu.sem_alloc : memref<!tpu.dma_semaphore, #tpu.memory_space<semaphore_mem>>
      %dma_start3A_55 = arith.constant 0 : i32
      %dma_start3A_56 = tpu.memref_slice %arg12[%dma_start3A_55] : memref<1000000xi32, #tpu.memory_space<vmem_shared>> -> memref<1000000xi32, #tpu.memory_space<vmem_shared>>
      tpu.enqueue_indirect_dma source(%dma_start3A_56 : memref<1000000xi32, #tpu.memory_space<vmem_shared>>) target(%arg9 : memref<512xi32, #tpu.memory_space<vmem>>) offsets(%arg8 : memref<512xi32, #tpu.memory_space<vmem>>) semaphore(%run_scoped3A : memref<!tpu.dma_semaphore, #tpu.memory_space<semaphore_mem>>)
      %dma_wait3A_57 = arith.constant 0 : i32
      %dma_wait3A_58 = tpu.memref_slice %arg12[%dma_wait3A_57] : memref<1000000xi32, #tpu.memory_space<vmem_shared>> -> memref<1000000xi32, #tpu.memory_space<vmem_shared>>
      tpu.wait_indirect_dma semaphore(%run_scoped3A : memref<!tpu.dma_semaphore, #tpu.memory_space<semaphore_mem>>) src(%dma_wait3A_58 : memref<1000000xi32, #tpu.memory_space<vmem_shared>>) dst(%arg9 : memref<512xi32, #tpu.memory_space<vmem>>)
      tpu.yield
    }) : () -> ()
    %dma_start3A_7 = arith.constant 0 : i32
    %dma_start3A_8 = tpu.memref_slice %arg9[%dma_start3A_7] : memref<512xi32, #tpu.memory_space<vmem>> -> memref<128xi32, #tpu.memory_space<vmem>>
    %dma_start3A_9 = arith.constant 0 : i32
    %dma_start3A_10 = arith.constant 0 : i32
    %dma_start3A_11 = tpu.memref_slice %arg4[%dma_start3A_9, %dma_start3A_10] : memref<16384x128xf32, #tpu.memory_space<hbm>> -> memref<16384x128xf32, #tpu.memory_space<hbm>>
    tpu.enqueue_indirect_dma source(%dma_start3A_11 : memref<16384x128xf32, #tpu.memory_space<hbm>>) target(%arg10 : memref<128x128xf32, #tpu.memory_space<vmem>>) offsets(%dma_start3A_8 : memref<128xi32, #tpu.memory_space<vmem>>) semaphore(%arg13 : memref<!tpu.dma_semaphore, #tpu.memory_space<semaphore_mem>>)
    %dma_start3A_12 = arith.constant 128 : i32
    %dma_start3A_13 = tpu.memref_slice %arg9[%dma_start3A_12] : memref<512xi32, #tpu.memory_space<vmem>> -> memref<128xi32, #tpu.memory_space<vmem>>
    %dma_start3A_14 = arith.constant 0 : i32
    %dma_start3A_15 = arith.constant 0 : i32
    %dma_start3A_16 = tpu.memref_slice %arg4[%dma_start3A_14, %dma_start3A_15] : memref<16384x128xf32, #tpu.memory_space<hbm>> -> memref<16384x128xf32, #tpu.memory_space<hbm>>
    tpu.enqueue_indirect_dma source(%dma_start3A_16 : memref<16384x128xf32, #tpu.memory_space<hbm>>) target(%arg11 : memref<128x128xf32, #tpu.memory_space<vmem>>) offsets(%dma_start3A_13 : memref<128xi32, #tpu.memory_space<vmem>>) semaphore(%arg14 : memref<!tpu.dma_semaphore, #tpu.memory_space<semaphore_mem>>)
    %dma_wait3A_17 = arith.constant 0 : i32
    %dma_wait3A_18 = tpu.memref_slice %arg9[%dma_wait3A_17] : memref<512xi32, #tpu.memory_space<vmem>> -> memref<128xi32, #tpu.memory_space<vmem>>
    %dma_wait3A_19 = arith.constant 0 : i32
    %dma_wait3A_20 = arith.constant 0 : i32
    %dma_wait3A_21 = tpu.memref_slice %arg4[%dma_wait3A_19, %dma_wait3A_20] : memref<16384x128xf32, #tpu.memory_space<hbm>> -> memref<16384x128xf32, #tpu.memory_space<hbm>>
    tpu.wait_indirect_dma semaphore(%arg13 : memref<!tpu.dma_semaphore, #tpu.memory_space<semaphore_mem>>) src(%dma_wait3A_21 : memref<16384x128xf32, #tpu.memory_space<hbm>>) dst(%arg10 : memref<128x128xf32, #tpu.memory_space<vmem>>)
    %add3A_22 = arith.constant 0 : i32
    %add3A_23 = arith.addi %mul3A_2, %add3A_22 : i32
    "tpu.region"() ({
      %run_scoped3A = tpu.sem_alloc : memref<!tpu.dma_semaphore, #tpu.memory_space<semaphore_mem>>
      %dma_start3A_55 = arith.constant 0 : i32
      %dma_start3A_56 = tpu.memref_slice %arg5[%add3A_23, %dma_start3A_55] : memref<16384x128xf32, #tpu.memory_space<hbm>> -> memref<128x128xf32, #tpu.memory_space<hbm>>
      %dma_start3A_57 = arith.constant 0 : i32
      %dma_start3A_58 = tpu.memref_slice %arg5[%add3A_23, %dma_start3A_57] : memref<16384x128xf32, #tpu.memory_space<hbm>> -> memref<128x128xf32, #tpu.memory_space<hbm>>
      tpu.enqueue_dma source(%arg10 : memref<128x128xf32, #tpu.memory_space<vmem>>) target(%dma_start3A_58 : memref<128x128xf32, #tpu.memory_space<hbm>>) target_semaphore(%run_scoped3A : memref<!tpu.dma_semaphore, #tpu.memory_space<semaphore_mem>>)
      %dma_wait3A_59 = arith.constant 0 : i32
      %dma_wait3A_60 = tpu.memref_slice %arg5[%add3A_23, %dma_wait3A_59] : memref<16384x128xf32, #tpu.memory_space<hbm>> -> memref<128x128xf32, #tpu.memory_space<hbm>>
      %dma_wait3A_61 = arith.constant 0 : i32
      %dma_wait3A_62 = tpu.memref_slice %arg5[%add3A_23, %dma_wait3A_61] : memref<16384x128xf32, #tpu.memory_space<hbm>> -> memref<128x128xf32, #tpu.memory_space<hbm>>
      tpu.wait_dma2 semaphore(%run_scoped3A : memref<!tpu.dma_semaphore, #tpu.memory_space<semaphore_mem>>) src(%arg10 : memref<128x128xf32, #tpu.memory_space<vmem>>) dst(%dma_wait3A_62 : memref<128x128xf32, #tpu.memory_space<hbm>>)
      tpu.yield
    }) : () -> ()
    %dma_start3A_24 = arith.constant 256 : i32
    %dma_start3A_25 = tpu.memref_slice %arg9[%dma_start3A_24] : memref<512xi32, #tpu.memory_space<vmem>> -> memref<128xi32, #tpu.memory_space<vmem>>
    %dma_start3A_26 = arith.constant 0 : i32
    %dma_start3A_27 = arith.constant 0 : i32
    %dma_start3A_28 = tpu.memref_slice %arg4[%dma_start3A_26, %dma_start3A_27] : memref<16384x128xf32, #tpu.memory_space<hbm>> -> memref<16384x128xf32, #tpu.memory_space<hbm>>
    tpu.enqueue_indirect_dma source(%dma_start3A_28 : memref<16384x128xf32, #tpu.memory_space<hbm>>) target(%arg10 : memref<128x128xf32, #tpu.memory_space<vmem>>) offsets(%dma_start3A_25 : memref<128xi32, #tpu.memory_space<vmem>>) semaphore(%arg13 : memref<!tpu.dma_semaphore, #tpu.memory_space<semaphore_mem>>)
    %dma_wait3A_29 = arith.constant 128 : i32
    %dma_wait3A_30 = tpu.memref_slice %arg9[%dma_wait3A_29] : memref<512xi32, #tpu.memory_space<vmem>> -> memref<128xi32, #tpu.memory_space<vmem>>
    %dma_wait3A_31 = arith.constant 0 : i32
    %dma_wait3A_32 = arith.constant 0 : i32
    %dma_wait3A_33 = tpu.memref_slice %arg4[%dma_wait3A_31, %dma_wait3A_32] : memref<16384x128xf32, #tpu.memory_space<hbm>> -> memref<16384x128xf32, #tpu.memory_space<hbm>>
    tpu.wait_indirect_dma semaphore(%arg14 : memref<!tpu.dma_semaphore, #tpu.memory_space<semaphore_mem>>) src(%dma_wait3A_33 : memref<16384x128xf32, #tpu.memory_space<hbm>>) dst(%arg11 : memref<128x128xf32, #tpu.memory_space<vmem>>)
    %add3A_34 = arith.constant 128 : i32
    %add3A_35 = arith.addi %mul3A_2, %add3A_34 : i32
    "tpu.region"() ({
      %run_scoped3A = tpu.sem_alloc : memref<!tpu.dma_semaphore, #tpu.memory_space<semaphore_mem>>
      %dma_start3A_55 = arith.constant 0 : i32
      %dma_start3A_56 = tpu.memref_slice %arg5[%add3A_35, %dma_start3A_55] : memref<16384x128xf32, #tpu.memory_space<hbm>> -> memref<128x128xf32, #tpu.memory_space<hbm>>
      %dma_start3A_57 = arith.constant 0 : i32
      %dma_start3A_58 = tpu.memref_slice %arg5[%add3A_35, %dma_start3A_57] : memref<16384x128xf32, #tpu.memory_space<hbm>> -> memref<128x128xf32, #tpu.memory_space<hbm>>
      tpu.enqueue_dma source(%arg11 : memref<128x128xf32, #tpu.memory_space<vmem>>) target(%dma_start3A_58 : memref<128x128xf32, #tpu.memory_space<hbm>>) target_semaphore(%run_scoped3A : memref<!tpu.dma_semaphore, #tpu.memory_space<semaphore_mem>>)
      %dma_wait3A_59 = arith.constant 0 : i32
      %dma_wait3A_60 = tpu.memref_slice %arg5[%add3A_35, %dma_wait3A_59] : memref<16384x128xf32, #tpu.memory_space<hbm>> -> memref<128x128xf32, #tpu.memory_space<hbm>>
      %dma_wait3A_61 = arith.constant 0 : i32
      %dma_wait3A_62 = tpu.memref_slice %arg5[%add3A_35, %dma_wait3A_61] : memref<16384x128xf32, #tpu.memory_space<hbm>> -> memref<128x128xf32, #tpu.memory_space<hbm>>
      tpu.wait_dma2 semaphore(%run_scoped3A : memref<!tpu.dma_semaphore, #tpu.memory_space<semaphore_mem>>) src(%arg11 : memref<128x128xf32, #tpu.memory_space<vmem>>) dst(%dma_wait3A_62 : memref<128x128xf32, #tpu.memory_space<hbm>>)
      tpu.yield
    }) : () -> ()
    %dma_start3A_36 = arith.constant 384 : i32
    %dma_start3A_37 = tpu.memref_slice %arg9[%dma_start3A_36] : memref<512xi32, #tpu.memory_space<vmem>> -> memref<128xi32, #tpu.memory_space<vmem>>
    %dma_start3A_38 = arith.constant 0 : i32
    %dma_start3A_39 = arith.constant 0 : i32
    %dma_start3A_40 = tpu.memref_slice %arg4[%dma_start3A_38, %dma_start3A_39] : memref<16384x128xf32, #tpu.memory_space<hbm>> -> memref<16384x128xf32, #tpu.memory_space<hbm>>
    tpu.enqueue_indirect_dma source(%dma_start3A_40 : memref<16384x128xf32, #tpu.memory_space<hbm>>) target(%arg11 : memref<128x128xf32, #tpu.memory_space<vmem>>) offsets(%dma_start3A_37 : memref<128xi32, #tpu.memory_space<vmem>>) semaphore(%arg14 : memref<!tpu.dma_semaphore, #tpu.memory_space<semaphore_mem>>)
    %dma_wait3A_41 = arith.constant 256 : i32
    %dma_wait3A_42 = tpu.memref_slice %arg9[%dma_wait3A_41] : memref<512xi32, #tpu.memory_space<vmem>> -> memref<128xi32, #tpu.memory_space<vmem>>
    %dma_wait3A_43 = arith.constant 0 : i32
    %dma_wait3A_44 = arith.constant 0 : i32
    %dma_wait3A_45 = tpu.memref_slice %arg4[%dma_wait3A_43, %dma_wait3A_44] : memref<16384x128xf32, #tpu.memory_space<hbm>> -> memref<16384x128xf32, #tpu.memory_space<hbm>>
    tpu.wait_indirect_dma semaphore(%arg13 : memref<!tpu.dma_semaphore, #tpu.memory_space<semaphore_mem>>) src(%dma_wait3A_45 : memref<16384x128xf32, #tpu.memory_space<hbm>>) dst(%arg10 : memref<128x128xf32, #tpu.memory_space<vmem>>)
    %add3A_46 = arith.constant 256 : i32
    %add3A_47 = arith.addi %mul3A_2, %add3A_46 : i32
    "tpu.region"() ({
      %run_scoped3A = tpu.sem_alloc : memref<!tpu.dma_semaphore, #tpu.memory_space<semaphore_mem>>
      %dma_start3A_55 = arith.constant 0 : i32
      %dma_start3A_56 = tpu.memref_slice %arg5[%add3A_47, %dma_start3A_55] : memref<16384x128xf32, #tpu.memory_space<hbm>> -> memref<128x128xf32, #tpu.memory_space<hbm>>
      %dma_start3A_57 = arith.constant 0 : i32
      %dma_start3A_58 = tpu.memref_slice %arg5[%add3A_47, %dma_start3A_57] : memref<16384x128xf32, #tpu.memory_space<hbm>> -> memref<128x128xf32, #tpu.memory_space<hbm>>
      tpu.enqueue_dma source(%arg10 : memref<128x128xf32, #tpu.memory_space<vmem>>) target(%dma_start3A_58 : memref<128x128xf32, #tpu.memory_space<hbm>>) target_semaphore(%run_scoped3A : memref<!tpu.dma_semaphore, #tpu.memory_space<semaphore_mem>>)
      %dma_wait3A_59 = arith.constant 0 : i32
      %dma_wait3A_60 = tpu.memref_slice %arg5[%add3A_47, %dma_wait3A_59] : memref<16384x128xf32, #tpu.memory_space<hbm>> -> memref<128x128xf32, #tpu.memory_space<hbm>>
      %dma_wait3A_61 = arith.constant 0 : i32
      %dma_wait3A_62 = tpu.memref_slice %arg5[%add3A_47, %dma_wait3A_61] : memref<16384x128xf32, #tpu.memory_space<hbm>> -> memref<128x128xf32, #tpu.memory_space<hbm>>
      tpu.wait_dma2 semaphore(%run_scoped3A : memref<!tpu.dma_semaphore, #tpu.memory_space<semaphore_mem>>) src(%arg10 : memref<128x128xf32, #tpu.memory_space<vmem>>) dst(%dma_wait3A_62 : memref<128x128xf32, #tpu.memory_space<hbm>>)
      tpu.yield
    }) : () -> ()
    %dma_wait3A_48 = arith.constant 384 : i32
    %dma_wait3A_49 = tpu.memref_slice %arg9[%dma_wait3A_48] : memref<512xi32, #tpu.memory_space<vmem>> -> memref<128xi32, #tpu.memory_space<vmem>>
    %dma_wait3A_50 = arith.constant 0 : i32
    %dma_wait3A_51 = arith.constant 0 : i32
    %dma_wait3A_52 = tpu.memref_slice %arg4[%dma_wait3A_50, %dma_wait3A_51] : memref<16384x128xf32, #tpu.memory_space<hbm>> -> memref<16384x128xf32, #tpu.memory_space<hbm>>
    tpu.wait_indirect_dma semaphore(%arg14 : memref<!tpu.dma_semaphore, #tpu.memory_space<semaphore_mem>>) src(%dma_wait3A_52 : memref<16384x128xf32, #tpu.memory_space<hbm>>) dst(%arg11 : memref<128x128xf32, #tpu.memory_space<vmem>>)
    %add3A_53 = arith.constant 384 : i32
    %add3A_54 = arith.addi %mul3A_2, %add3A_53 : i32
    "tpu.region"() ({
      %run_scoped3A = tpu.sem_alloc : memref<!tpu.dma_semaphore, #tpu.memory_space<semaphore_mem>>
      %dma_start3A_55 = arith.constant 0 : i32
      %dma_start3A_56 = tpu.memref_slice %arg5[%add3A_54, %dma_start3A_55] : memref<16384x128xf32, #tpu.memory_space<hbm>> -> memref<128x128xf32, #tpu.memory_space<hbm>>
      %dma_start3A_57 = arith.constant 0 : i32
      %dma_start3A_58 = tpu.memref_slice %arg5[%add3A_54, %dma_start3A_57] : memref<16384x128xf32, #tpu.memory_space<hbm>> -> memref<128x128xf32, #tpu.memory_space<hbm>>
      tpu.enqueue_dma source(%arg11 : memref<128x128xf32, #tpu.memory_space<vmem>>) target(%dma_start3A_58 : memref<128x128xf32, #tpu.memory_space<hbm>>) target_semaphore(%run_scoped3A : memref<!tpu.dma_semaphore, #tpu.memory_space<semaphore_mem>>)
      %dma_wait3A_59 = arith.constant 0 : i32
      %dma_wait3A_60 = tpu.memref_slice %arg5[%add3A_54, %dma_wait3A_59] : memref<16384x128xf32, #tpu.memory_space<hbm>> -> memref<128x128xf32, #tpu.memory_space<hbm>>
      %dma_wait3A_61 = arith.constant 0 : i32
      %dma_wait3A_62 = tpu.memref_slice %arg5[%add3A_54, %dma_wait3A_61] : memref<16384x128xf32, #tpu.memory_space<hbm>> -> memref<128x128xf32, #tpu.memory_space<hbm>>
      tpu.wait_dma2 semaphore(%run_scoped3A : memref<!tpu.dma_semaphore, #tpu.memory_space<semaphore_mem>>) src(%arg11 : memref<128x128xf32, #tpu.memory_space<vmem>>) dst(%dma_wait3A_62 : memref<128x128xf32, #tpu.memory_space<hbm>>)
      tpu.yield
    }) : () -> ()
    return
  }
}

</mosaic_0001>

<sc_bundles>
// kernel: kernel.3.cloned.1.call-start
scs
__scs_entry_jumppad:
0x0: {  	(pc) =	sbr.rel $0x88, $3  }
0x1: {  	(tag) =	ssettag $0x0;
	lr =	simm.s32 $0x1  }
0x2: {  	[smem:$0x3F9F] =	sst lr;
	_ =	strace $0xD0000000  }
0x3: {  	_ = 	snop  }
0x4: {  	_ = 	snop  }
0x5: {  	_ = 	snop  }
0x6: {  	_ = 	snop  }
0x7: {  	_ = 	snop  }
__scs_overlays_trampoline_lowered:
0x8: {  	[smem:$0x3FAE] =	sst s0  }
0x9: {  	[smem:$0x3FAF] =	sst s1  }
0xa: {  	[smem:$0x3FB0] =	sst s2  }
0xb: {  	[smem:$0x3FB1] =	sst s3  }
0xc: {  	[smem:$0x3FB2] =	sst s4  }
0xd: {  	[smem:$0x3FB3] =	sst s5  }
0xe: {  	[smem:$0x3FB4] =	sst s6  }
0xf: {  	[smem:$0x3FB5] =	sst s7  }
0x10: {  	[smem:$0x3FB6] =	sst s8  }
0x11: {  	[smem:$0x3FB7] =	sst s9;
	s0 =	simm.s32 @!p0 $0x0  }
0x12: {  	s1 =	sld [smem:$0x3F9D];
	s0 =	simm.s32 @p0 $0x1  }
0x13: {  	[smem:$0x3FB8] =	sst s0;
	s0 =	simm.s32 @!p1 $0x0  }
0x14: {  	s2 =	sld [smem:$0x3F9C];
	s0 =	simm.s32 @p1 $0x1  }
0x15: {  	[smem:$0x3FB9] =	sst s0;
	s0 =	simm.s32 @!p2 $0x0  }
0x16: {  	s3 =	sld [smem:$0x3FDB];
	s0 =	simm.s32 @p2 $0x1  }
0x17: {  	s4 =	simm.s32 $0x1BF5;
	[smem:$0x3FBB] =	sst s0  }
0x18: {  	s0 =	sld [smem:$0x3F9E];
	_ =	swait.ge [sflag:s4], $0x0  }
0x19: {  	s7 =	sld [smem:$0x3F9F]  }
0x1a: {  	s8 =	sadd.s32 $0xFFFFE003, lr  }
0x1b: {  	s9 =	sadd.s32 $0xFFFFFEF7, lr;
	s5 =	simm.s32 $0xFFFFFFFF;
	p2 =	slt.u32 s8, $0xFFFFF086  }
0x1c: {  	p1 =	slt.u32 s9, $0xF7A;
	s5 =	simm.s32 @!p2 $0x0  }
0x1d: {  	s5 =	simm.s32 @p1 $0x1;
	p0 =	seq.s32 s7, s2  }
0x1e: {  	s7 =	smul.u32 @!p0 $0xF7A, s2;
	p2 =	seq.s32 @!p0 s5, $0x0  }
0x1f: {  	s9 =	smul.u32 $0xF7A, s1;
	s8 =	simm.s32 @!p0 $0x1BF5;
	p2 =	por !p2, p0  }
0x20: {  	[sflag:s8] =	ssyncset.s32 @!p0 $0xFFFFF086;
	s6 =	sadd.s32 @!p0 s3, s7;
	s7 =	simm.s32 @!p0 $0x108  }
0x21: {  	s3 =	sadd.s32 s3, s9;
	s6 =	sadd.s32 @!p0 $0x88, s6;
	s7 =	simm.s32 @p2 $0x1082  }
0x22: {  	[simem:s7], [sflag:s8] =	dma.local @!p0 [hbm:s6], $0xF7A  }
0x23: {  	s9 =	sor.u32 $0xD0000000, s2;
	s6 =	simm.s32 $0x108;
	_ =	swait.ge @!p0 [sflag:s8], $0x0  }
0x24: {  	s3 =	sadd.s32 $0x88, s3;
	s6 =	simm.s32 @!p1 $0x1082;
	[sflag:s4] =	ssyncset.s32 $0xFFFFF086  }
0x25: {  	[simem:s6], [sflag:s4] =	dma.local [hbm:s3], $0xF7A  }
0x26: {  	[smem:$0x3F9F] =	sst s1;
	(tag) =	ssettag s2;
	_ =	strace s9  }
0x27: {  	s1 =	sld [smem:$0x3FAF]  }
0x28: {  	s2 =	sld [smem:$0x3FB0]  }
0x29: {  	s4 =	sld [smem:$0x3FB2]  }
0x2a: {  	p0 =	seq.s32 s5, $0x0;
	s5 =	sld [smem:$0x3FB3]  }
0x2b: {  	s6 =	sld [smem:$0x3FB4]  }
0x2c: {  	s7 =	sld [smem:$0x3FB5]  }
0x2d: {  	s3 =	simm.s32 $0x108;
	s8 =	sld [smem:$0x3FB6]  }
0x2e: {  	s3 =	simm.s32 @!p0 $0x1082;
	s9 =	sld [smem:$0x3FB7]  }
0x2f: {  	lr =	sadd.s32 s0, s3;
	s0 =	sld [smem:$0x3FAE]  }
0x30: {  	s3 =	sld [smem:$0x3FB1]  }
0x31: {  	[smem:$0x3FBA] =	sst s10  }
0x32: {  	s10 =	sld [smem:$0x3FB8];
	_ =	sdelay $0x3  }
0x33: {  	p0 =	seq.s32 s10, $0x1;
	s10 =	sld [smem:$0x3FBA];
	_ =	sdelay $0x3  }
0x34: {  	[smem:$0x3FBA] =	sst s10  }
0x35: {  	s10 =	sld [smem:$0x3FB9];
	_ =	sdelay $0x3  }
0x36: {  	p1 =	seq.s32 s10, $0x1;
	s10 =	sld [smem:$0x3FBA];
	_ =	sdelay $0x3  }
0x37: {  	[smem:$0x3FBA] =	sst s10  }
0x38: {  	s10 =	sld [smem:$0x3FBB]  }
0x39: {  	_ = 	snop;
	(pc) =	sbr.ind lr, $3  }
0x3a: {  	_ = 	snop  }
0x3b: {  	_ = 	snop  }
0x3c: {  	p2 =	seq.s32 s10, $0x1;
	s10 =	sld [smem:$0x3FBA]  }
0x3d: {  	_ =	shalt  }
0x3e: {  	_ =	shalt  }
0x3f: {  	_ =	shalt  }
0x40: {  	_ =	shalt  }
0x41: {  	_ =	shalt  }
0x42: {  	_ =	shalt  }
0x43: {  	_ =	shalt  }
0x44: {  	_ =	shalt  }
0x45: {  	_ =	shalt  }
0x46: {  	_ =	shalt  }
0x47: {  	_ =	shalt  }
0x48: {  	_ =	shalt  }
0x49: {  	_ =	shalt  }
0x4a: {  	_ =	shalt  }
0x4b: {  	_ =	shalt  }
0x4c: {  	_ =	shalt  }
0x4d: {  	_ =	shalt  }
0x4e: {  	_ =	shalt  }
0x4f: {  	_ =	shalt  }
0x50: {  	_ =	shalt  }
0x51: {  	_ =	shalt  }
0x52: {  	_ =	shalt  }
0x53: {  	_ =	shalt  }
0x54: {  	_ =	shalt  }
0x55: {  	_ =	shalt  }
0x56: {  	_ =	shalt  }
0x57: {  	_ =	shalt  }
0x58: {  	_ =	shalt  }
0x59: {  	_ =	shalt  }
0x5a: {  	_ =	shalt  }
0x5b: {  	_ =	shalt  }
0x5c: {  	_ =	shalt  }
0x5d: {  	_ =	shalt  }
0x5e: {  	_ =	shalt  }
0x5f: {  	_ =	shalt  }
0x60: {  	_ =	shalt  }
0x61: {  	_ =	shalt  }
0x62: {  	_ =	shalt  }
0x63: {  	_ =	shalt  }
0x64: {  	_ =	shalt  }
0x65: {  	_ =	shalt  }
0x66: {  	_ =	shalt  }
0x67: {  	_ =	shalt  }
0x68: {  	_ =	shalt  }
0x69: {  	_ =	shalt  }
0x6a: {  	_ =	shalt  }
0x6b: {  	_ =	shalt  }
0x6c: {  	_ =	shalt  }
0x6d: {  	_ =	shalt  }
0x6e: {  	_ =	shalt  }
0x6f: {  	_ =	shalt  }
0x70: {  	_ =	shalt  }
0x71: {  	_ =	shalt  }
0x72: {  	_ =	shalt  }
0x73: {  	_ =	shalt  }
0x74: {  	_ =	shalt  }
0x75: {  	_ =	shalt  }
0x76: {  	_ =	shalt  }
0x77: {  	_ =	shalt  }
0x78: {  	_ =	shalt  }
0x79: {  	_ =	shalt  }
0x7a: {  	_ =	shalt  }
0x7b: {  	_ =	shalt  }
0x7c: {  	_ =	shalt  }
0x7d: {  	_ =	shalt  }
0x7e: {  	_ =	shalt  }
0x7f: {  	_ =	shalt  }
0x80: {  	_ =	shalt  }
0x81: {  	_ =	shalt  }
0x82: {  	_ =	shalt  }
0x83: {  	_ =	shalt  }
0x84: {  	_ =	shalt  }
0x85: {  	_ =	shalt  }
0x86: {  	_ =	shalt  }
0x87: {  	_ =	shalt  }
.Lfunc_end0:
.L_simem_size_0:
called_computation_lowered:
.L_overlay_start_0:
0x88: {  	s2 =	sld [smem:$0x3FD9]  }
0x89: {  	s3 =	sld [smem:$0x3FFE];
	_ =	sdelay $0x1  }
0x8a: {  	s1 =	srdreg.scid  }
0x8b: {  	s0 =	sand.u32 $0x1, s1  }
0x8c: {  	s17 =	sshll.u32 s0, $0xA;
	s2 =	sadd.s32 s3, s2  }
0x8d: {  	s2 =	sadd.s32 s2, s17  }
0x8e: {  	[smem:$0x3FC6] =	sst s2  }
0x8f: {  	_ = 	snop  }
0x90: {  	s2 =	sld [smem:$0x3FC9]  }
0x91: {  	s18 =	sld [smem:$0x3FC8]  }
0x92: {  	s4 =	sld [smem:$0x3FD0];
	(tm) =	ssettm $0x1  }
0x93: {  	s5 =	sld [smem:$0x3FFB];
	_ =	sdelay $0x3  }
0x94: {  	_ =	strace s5  }
0x95: {  	s5 =	sld [smem:$0x3FFC];
	_ =	sdelay $0x3  }
0x96: {  	_ =	strace s5  }
0x97: {  	s5 =	sld [smem:$0x3FFD];
	_ =	sdelay $0x3  }
0x98: {  	_ =	strace s5  }
0x99: {  	_ =	strace $0x8FFFFFFF  }
0x9a: {  	s19 =	sld [smem:$0x3FDB];
	_ =	sdelay $0x1  }
0x9b: {  	s6 =	simm.s32 $_scs_section_size  }
0x9c: {  	s7 =	simm.s32 $_size__tile_overlayer_lowered;
	s8 =	simm.s32 $_tile_overlayer_lowered  }
0x9d: {  	s22 =	simm.s32 $0x1BFF;
	s21 =	sshll.u32 s8, $0x1;
	s5 =	sadd.s32 s6, s19  }
0x9e: {  	s9 =	simm.s32 $0x0;
	s20 =	sshll.u32 s7, $0x1;
	s7 =	sadd.s32 s21, s5  }
0x9f: {  	[timem:s9], [sflag:s22] =	dma.local [hbm:s7], s20  }
0xa0: {  	_ =	swait.ge [sflag:s22], s20  }
0xa1: {  	s6 =	ssub.s32 $0x0, s20;
	[sflag:s22] =	ssyncset.done $0x0  }
0xa2: {  	[sflag:s22] =	ssyncadd.s32 s6;
	_ =	sdelay $0x1  }
0xa3: {  	s23 =	simm.s32 $0x1B8B  }
0xa4: {  	_ =	swait.ge [sflag:s23], $0x1  }
0xa5: {  	[sflag:s23] =	ssyncset.done $0x0  }
0xa6: {  	s25 =	simm.s32 $0x1B8E;
	s24 =	sld [smem:$0x3FFE];
	[sflag:s23] =	ssyncadd.s32 $0xFFFFFFFF  }
0xa7: {  	s26 =	simm.s32 $execute0_lowered;
	[smem:$0x3FD2] =	sst s25  }
0xa8: {  	s7 =	sshll.u32 s26, $0x1;
	_ =	strace $0x80000046;
	[dreg:$0x1] =	wrdreg $0xFFFFFFFF  }
0xa9: {  	s28 =	simm.s32 $_size_execute0_lowered;
	s5 =	sadd.s32 s5, s7;
	[dreg:$0x0] =	wrdreg $0x0  }
0xaa: {  	s7 =	sshll.u32 s28, $0x1;
	[dreg:$0x2] =	wrdreg s5  }
0xab: {  	[dreg:$0x3] =	wrdreg s7  }
0xac: {  	[dreg:$0x4] =	wrdreg $0xC0  }
0xad: {  	_ =	task [dreg:s9], $0x5FFFF  }
0xae: {  	[dreg:$0x1] =	wrdreg $0xFFFFFFFF  }
0xaf: {  	[dreg:$0x0] =	wrdreg $0x60  }
0xb0: {  	[dreg:$0x2] =	wrdreg s2  }
0xb1: {  	[dreg:$0x3] =	wrdreg s24  }
0xb2: {  	[dreg:$0x4] =	wrdreg s18  }
0xb3: {  	[dreg:$0x5] =	wrdreg s4  }
0xb4: {  	[dreg:$0x6] =	wrdreg $0x104000  }
0xb5: {  	[dreg:$0x7] =	wrdreg $0x9  }
0xb6: {  	_ =	task.clear_ibuf [dreg:s9], $0x8FFFF;
	_ =	strace $0x90000046  }
0xb7: {  	s29 =	simm.s32 $0x9;
	_ =	strace $0x80000048  }
0xb8: {  	_ =	swait.ge [sflag:s29], $0x1  }
0xb9: {  	[sflag:s29] =	ssyncadd.s32 $0xFFFFFFFF  }
0xba: {  	_ =	strace $0x90000048  }
0xbb: {  	_ =	sfence  }
0xbc: {  	s30 =	sld [smem:$0x0];
	_ =	sdelay $0x2  }
0xbd: {  	s31 =	sshll.u32 s1, $0xD;
	s1 =	sshrl.u32 s1, $0x2  }
0xbe: {  	s3 =	sand.u32 $0x4000, s31;
	s1 =	sadd.s32 s1, s30  }
0xbf: {  	s0 =	sor.u32 s3, s0;
	s1 =	sshll.u32 s1, $0x11  }
0xc0: {  	s0 =	sor.u32 s1, s0  }
0xc1: {  	s0 =	sadd.s32 $0x8F2B, s0  }
0xc2: {  	[sflag:s0] =	ssyncadd.remote.s32 $0x1  }
0xc3: {  	_ =	sfence.sel $0xFFFF  }
0xc4: {  	[dreg:$0x0] =	wrdreg $0xFFFFFFFF;
	(pc) =	sbr.abs _section_cstart, $3  }
0xc5: {  	[dreg:$0x1] =	wrdreg $0xFFFFFFFF  }
0xc6: {  	_ =	task.clear_ibuf [dreg:s9], $0x2FFFF;
	_ =	strace $0x9FFFFFFF  }
0xc7: {  	(tm) =	ssettm $0x7FFFFFFF  }
tec
execute0_lowered:
.L_overlay_start_1:
0x0: {  	(tag) =	ssettag $0x1  }
0x1: {  	s1 =	rddreg [dreg:$0x0]  }
0x2: {  	s8 =	rddreg [dreg:$0x1]  }
0x3: {  	s2 =	rddreg [dreg:$0x2];
	s4 =	srdreg.scid  }
0x4: {  	s22 =	rddreg [dreg:$0x3];
	s6 =	stileid.u32;
	s29 =	sand.u32 $0x1, s4  }
0x5: {  	s3 =	rddreg [dreg:$0x4];
	s7 =	sshll.u32 s6, $0x9;
	s5 =	sshll.u32 s29, $0xD  }
0x6: {  	s0 =	rddreg [dreg:$0x5];
	s4 =	simm.s32 $0x0;
	s23 =	sor.u32 s7, s5  }
0x7: {  	p0 =	sne.s32 s6, $0x0;
	[smem:$0x7FF] =	sst s4;
	s5 =	sshrl.u32 s23, $0x3  }
0x8: {  	s6 =	simm.s32 $0x8000;
	_ =	strace $0x80000047;
	s5 =	sadd.s32 s1, s5  }
0x9: {  	[tilespmem:s6], [sflag:$0x3] =	stream.linear.gather [hbm4b:s5+s4], $0x200, $0x38;
	[tilespmem:$0x1F828] =	vst v63  }
0xa: {  	s7 =	simm.s32 @!p0 $0x0  }
0xb: {  	[tilespmem:s7], [sflag:$0x1] =	stream.linear.gather @!p0 [hbm4b:s1+s7], $0x4000, $0x38;
	[tilespmem:$0x1F828] =	vst v63  }
0xc: {  	s8 =	sadd.s32 $0x400, s8;
	s9 =	simm.s32 @!p0 $0x4000;
	s10 =	simm.s32 @!p0 $0x1  }
0xd: {  	[tilespmem:s9], [sflag:$0x2] =	stream.linear.gather @!p0 [hbm4b:s8+s7], $0x4000, $0x38;
	[tilespmem:$0x1F828] =	vst v63  }
0xe: {  	_ =	swait.ge @!p0 [sflag:s10], $0x4000  }
0xf: {  	[sflag:s10] =	ssyncset.done @!p0 $0x0  }
0x10: {  	s11 =	simm.s32 @!p0 $0x2;
	[sflag:s10] =	ssyncadd.s32 @!p0 $0xFFFFC000  }
0x11: {  	_ =	swait.ge @!p0 [sflag:s11], $0x4000  }
0x12: {  	[sflag:s11] =	ssyncset.done @!p0 $0x0  }
0x13: {  	s12 =	simm.s32 @!p0 $0x4;
	[sflag:s11] =	ssyncadd.s32 @!p0 $0xFFFFC000  }
0x14: {  	[spmem:s3] =	stream.indirect.scatter @!p0 [tilespmem:s9], [sflag:$0x4], $0x1, s7, s9, $0xb8;
	[tilespmem:$0x1F828] =	vst v63  }
0x15: {  	_ =	swait.ge @!p0 [sflag:s12], $0x4000  }
0x16: {  	[sflag:s12] =	ssyncset.done @!p0 $0x0  }
0x17: {  	s13 =	simm.s32 $0x3;
	[sflag:s12] =	ssyncadd.s32 @!p0 $0xFFFFC000  }
0x18: {  	_ =	swait.ge [sflag:s13], $0x200  }
0x19: {  	[sflag:s13] =	ssyncset.done $0x0  }
0x1a: {  	s14 =	simm.s32 $0x200;
	[sflag:s13] =	ssyncadd.s32 $0xFFFFFE00  }
0x1b: {  	s16 =	simm.s32 $0x8200;
	s15 =	simm.s32 $0x4;
	[bflag:$0x0] =	sbarrier.arrive $0xFFFF  }
0x1c: {  	[tilespmem:s16], [sflag:$0x4] =	stream.indirect.gather [spmem:s3], $0x1, s6, s14, $0xb8;
	[tilespmem:$0x1F828] =	vst v63  }
0x1d: {  	_ =	swait.ge [sflag:s15], $0x200  }
0x1e: {  	[sflag:s15] =	ssyncset.done $0x0  }
0x1f: {  	s17 =	simm.s32 $0x80;
	s18 =	simm.s32 $0x8400;
	[sflag:s15] =	ssyncadd.s32 $0xFFFFFE00  }
0x20: {  	[tilespmem:s18], [sflag:$0x1] =	stream.indirect.gather [hbm4b:s2+s17], $0x80, s16, s17, $0xb8;
	[tilespmem:$0x1F828] =	vst v63  }
0x21: {  	s19 =	simm.s32 $0x8280;
	s20 =	simm.s32 $0xC400;
	s21 =	simm.s32 $0x1  }
0x22: {  	[tilespmem:s20], [sflag:$0x2] =	stream.indirect.gather [hbm4b:s2+s17], $0x80, s19, s17, $0xb8;
	[tilespmem:$0x1F828] =	vst v63  }
0x23: {  	_ =	swait.ge [sflag:s21], $0x4000  }
0x24: {  	s23 =	sshll.u32 s23, $0x4;
	[sflag:s21] =	ssyncset.done $0x0  }
0x25: {  	s22 =	sadd.s32 s22, s23;
	[sflag:s21] =	ssyncadd.s32 $0xFFFFC000  }
0x26: {  	[hbm4b:s22+s4] =	stream.linear.scatter [tilespmem:s18], [sflag:$0x4], $0x4000, $0x38;
	[tilespmem:$0x1F828] =	vst v63  }
0x27: {  	_ =	swait.ge [sflag:s15], $0x4000  }
0x28: {  	[sflag:s15] =	ssyncset.done $0x0  }
0x29: {  	s24 =	simm.s32 $0x2;
	s23 =	simm.s32 $0x8300;
	[sflag:s15] =	ssyncadd.s32 $0xFFFFC000  }
0x2a: {  	[tilespmem:s18], [sflag:$0x1] =	stream.indirect.gather [hbm4b:s2+s17], $0x80, s23, s17, $0xb8;
	[tilespmem:$0x1F828] =	vst v63  }
0x2b: {  	_ =	swait.ge [sflag:s24], $0x4000  }
0x2c: {  	[sflag:s24] =	ssyncset.done $0x0  }
0x2d: {  	s25 =	sadd.s32 $0x800, s22;
	[sflag:s24] =	ssyncadd.s32 $0xFFFFC000  }
0x2e: {  	[hbm4b:s25+s4] =	stream.linear.scatter [tilespmem:s20], [sflag:$0x4], $0x4000, $0x38;
	[tilespmem:$0x1F828] =	vst v63  }
0x2f: {  	_ =	swait.ge [sflag:s15], $0x4000  }
0x30: {  	[sflag:s15] =	ssyncset.done $0x0  }
0x31: {  	s26 =	simm.s32 $0x8380;
	[sflag:s15] =	ssyncadd.s32 $0xFFFFC000  }
0x32: {  	[tilespmem:s20], [sflag:$0x2] =	stream.indirect.gather [hbm4b:s2+s17], $0x80, s26, s17, $0xb8;
	[tilespmem:$0x1F828] =	vst v63  }
0x33: {  	_ =	swait.ge [sflag:s21], $0x4000  }
0x34: {  	s29 =	ssub.s32 $0x2, s29;
	[sflag:s21] =	ssyncset.done $0x0  }
0x35: {  	s30 =	sshrl.u32 s29, $0x1;
	s28 =	sadd.s32 $0x1000, s22;
	[sflag:s21] =	ssyncadd.s32 $0xFFFFC000  }
0x36: {  	[hbm4b:s28+s4] =	stream.linear.scatter [tilespmem:s18], [sflag:$0x4], $0x4000, $0x38;
	[tilespmem:$0x1F828] =	vst v63  }
0x37: {  	s29 =	ssub.s32 s29, s30;
	_ =	swait.ge [sflag:s15], $0x4000  }
0x38: {  	s29 =	smax.u32 s29, $0x1;
	[sflag:s15] =	ssyncset.done $0x0  }
0x39: {  	s29 =	sadd.s32 $0xFFFFFFFF, s29;
	[sflag:s15] =	ssyncadd.s32 $0xFFFFC000  }
0x3a: {  	p1 =	sne.s32 s29, $0x0;
	_ =	swait.ge [sflag:s24], $0x4000  }
.Ltmp0:
0x3b: {  	[sflag:s24] =	ssyncset.done $0x0;
	(pc) =	sbr.rel @!p1 .LBB2_2-.Ltmp0, $4  }
0x3c: {  	s30 =	sadd.s32 $0x1800, s22;
	[sflag:s24] =	ssyncadd.s32 $0xFFFFC000  }
0x3d: {  	[hbm4b:s30+s4] =	stream.linear.scatter [tilespmem:s20], [sflag:$0x4], $0x4000, $0x38;
	[tilespmem:$0x1F828] =	vst v63  }
0x3e: {  	_ =	swait.ge [sflag:s15], $0x4000  }
0x3f: {  	[sflag:s15] =	ssyncset.done $0x0  }
.LBB2_1:
0x40: {  	s29 =	sadd.s32 $0xFFFFFFFF, s29;
	[sflag:s15] =	ssyncadd.s32 $0xFFFFC000  }
0x41: {  	[tilespmem:s6], [sflag:$0x3] =	stream.linear.gather [hbm4b:s5+s4], $0x200, $0x38;
	[tilespmem:$0x1F828] =	vst v63  }
0x42: {  	p1 =	sne.s32 s29, $0x0  }
0x43: {  	[tilespmem:s7], [sflag:$0x1] =	stream.linear.gather @!p0 [hbm4b:s1+s7], $0x4000, $0x38;
	[tilespmem:$0x1F828] =	vst v63  }
0x44: {  	_ = 	snop  }
0x45: {  	[tilespmem:s9], [sflag:$0x2] =	stream.linear.gather @!p0 [hbm4b:s8+s7], $0x4000, $0x38;
	[tilespmem:$0x1F828] =	vst v63  }
0x46: {  	_ =	swait.ge @!p0 [sflag:s10], $0x4000  }
0x47: {  	[sflag:s10] =	ssyncset.done @!p0 $0x0  }
0x48: {  	[sflag:s10] =	ssyncadd.s32 @!p0 $0xFFFFC000  }
0x49: {  	_ =	swait.ge @!p0 [sflag:s11], $0x4000  }
0x4a: {  	[sflag:s11] =	ssyncset.done @!p0 $0x0  }
0x4b: {  	[sflag:s11] =	ssyncadd.s32 @!p0 $0xFFFFC000  }
0x4c: {  	[spmem:s3] =	stream.indirect.scatter @!p0 [tilespmem:s9], [sflag:$0x4], $0x1, s7, s9, $0xb8;
	[tilespmem:$0x1F828] =	vst v63  }
0x4d: {  	_ =	swait.ge @!p0 [sflag:s12], $0x4000  }
0x4e: {  	[sflag:s12] =	ssyncset.done @!p0 $0x0  }
0x4f: {  	[sflag:s12] =	ssyncadd.s32 @!p0 $0xFFFFC000  }
0x50: {  	_ =	swait.ge [sflag:s13], $0x200  }
0x51: {  	[sflag:s13] =	ssyncset.done $0x0  }
0x52: {  	[sflag:s13] =	ssyncadd.s32 $0xFFFFFE00  }
0x53: {  	[bflag:$0x0] =	sbarrier.arrive $0xFFFF  }
0x54: {  	[tilespmem:s16], [sflag:$0x4] =	stream.indirect.gather [spmem:s3], $0x1, s6, s14, $0xb8;
	[tilespmem:$0x1F828] =	vst v63  }
0x55: {  	_ =	swait.ge [sflag:s15], $0x200  }
0x56: {  	[sflag:s15] =	ssyncset.done $0x0  }
0x57: {  	[sflag:s15] =	ssyncadd.s32 $0xFFFFFE00  }
0x58: {  	[tilespmem:s18], [sflag:$0x1] =	stream.indirect.gather [hbm4b:s2+s17], $0x80, s16, s17, $0xb8;
	[tilespmem:$0x1F828] =	vst v63  }
0x59: {  	_ = 	snop  }
0x5a: {  	[tilespmem:s20], [sflag:$0x2] =	stream.indirect.gather [hbm4b:s2+s17], $0x80, s19, s17, $0xb8;
	[tilespmem:$0x1F828] =	vst v63  }
0x5b: {  	_ =	swait.ge [sflag:s21], $0x4000  }
0x5c: {  	[sflag:s21] =	ssyncset.done $0x0  }
0x5d: {  	[sflag:s21] =	ssyncadd.s32 $0xFFFFC000  }
0x5e: {  	[hbm4b:s22+s4] =	stream.linear.scatter [tilespmem:s18], [sflag:$0x4], $0x4000, $0x38;
	[tilespmem:$0x1F828] =	vst v63  }
0x5f: {  	_ =	swait.ge [sflag:s15], $0x4000  }
0x60: {  	[sflag:s15] =	ssyncset.done $0x0  }
0x61: {  	[sflag:s15] =	ssyncadd.s32 $0xFFFFC000  }
0x62: {  	[tilespmem:s18], [sflag:$0x1] =	stream.indirect.gather [hbm4b:s2+s17], $0x80, s23, s17, $0xb8;
	[tilespmem:$0x1F828] =	vst v63  }
0x63: {  	_ =	swait.ge [sflag:s24], $0x4000  }
0x64: {  	[sflag:s24] =	ssyncset.done $0x0  }
0x65: {  	[sflag:s24] =	ssyncadd.s32 $0xFFFFC000  }
0x66: {  	[hbm4b:s25+s4] =	stream.linear.scatter [tilespmem:s20], [sflag:$0x4], $0x4000, $0x38;
	[tilespmem:$0x1F828] =	vst v63  }
0x67: {  	_ =	swait.ge [sflag:s15], $0x4000  }
0x68: {  	[sflag:s15] =	ssyncset.done $0x0  }
0x69: {  	[sflag:s15] =	ssyncadd.s32 $0xFFFFC000  }
0x6a: {  	[tilespmem:s20], [sflag:$0x2] =	stream.indirect.gather [hbm4b:s2+s17], $0x80, s26, s17, $0xb8;
	[tilespmem:$0x1F828] =	vst v63  }
0x6b: {  	_ =	swait.ge [sflag:s21], $0x4000  }
0x6c: {  	[sflag:s21] =	ssyncset.done $0x0  }
0x6d: {  	[sflag:s21] =	ssyncadd.s32 $0xFFFFC000  }
0x6e: {  	[hbm4b:s28+s4] =	stream.linear.scatter [tilespmem:s18], [sflag:$0x4], $0x4000, $0x38;
	[tilespmem:$0x1F828] =	vst v63  }
0x6f: {  	_ =	swait.ge [sflag:s15], $0x4000  }
0x70: {  	[sflag:s15] =	ssyncset.done $0x0  }
0x71: {  	[sflag:s15] =	ssyncadd.s32 $0xFFFFC000  }
0x72: {  	_ =	swait.ge [sflag:s24], $0x4000  }
.Ltmp1:
0x73: {  	[sflag:s24] =	ssyncset.done $0x0;
	(pc) =	sbr.rel @p1 .LBB2_1-.Ltmp1, $4  }
0x74: {  	[sflag:s24] =	ssyncadd.s32 $0xFFFFC000  }
0x75: {  	[hbm4b:s30+s4] =	stream.linear.scatter [tilespmem:s20], [sflag:$0x4], $0x4000, $0x38;
	[tilespmem:$0x1F828] =	vst v63  }
0x76: {  	_ =	swait.ge [sflag:s15], $0x4000  }
0x77: {  	[sflag:s15] =	ssyncset.done $0x0  }
.LBB2_2:
0x78: {  	[sflag:s15] =	ssyncadd.s32 $0xFFFFC000  }
0x79: {  	_ =	sfence.sel $0x180000  }
0x7a: {  	[bflag:$0x0] =	sbarrier.arrive $0xFFFF  }
0x7b: {  	_ =	strace $0x90000047  }
0x7c: {  	s0 =	sadd.s32 @!p0 $0x100000, s0;
	[bflag:$0x2] =	sbarrier.arrive $0xFFFF  }
0x7d: {  	[sflag:s0] =	ssyncadd.tile.s32 @!p0 $0x1;
	_ =	shalt  }
.Lfunc_end2:
_tile_overlayer_lowered:
.L_overlay_start_2:
0x7e: {  	(tag) =	ssettag $0x2  }
0x7f: {  	s0 =	rddreg [dreg:$0x0];
	s2 =	stileid.u32  }
0x80: {  	s1 =	rddreg [dreg:$0x1];
	p0 =	sne.s32 s2, $0x0  }
0x81: {  	s3 =	rddreg [dreg:$0x2];
	[bflag:$0x3] =	sbarrier.arrive $0xFFFF;
	s2 =	simm.s32 @!p0 $0x1C04  }
0x82: {  	[timem:s3], [sflag:s2] =	dma.local @!p0 [hbm:s0], s1  }
0x83: {  	s0 =	simm.s32 @!p0 $0x4  }
0x84: {  	_ =	swait.ge @!p0 [sflag:s0], s1  }
0x85: {  	s1 =	ssub.s32 @!p0 $0x0, s1;
	[sflag:s0] =	ssyncset.done @!p0 $0x0  }
0x86: {  	[sflag:s0] =	ssyncadd.s32 @!p0 s1  }
0x87: {  	[bflag:$0x3] =	sbarrier.arrive $0xFFFF  }
0x88: {  	_ =	shalt  }

</sc_bundles>
